<compile_context>
chip_gen: v7x
topology: tpu7x:2x2x1
jax: 0.10.2.dev20260603
libtpu: 0.0.44.dev20260713+nightly
codegen_flags: <defaults>
</compile_context>

<pallas_src>
import functools

import jax
import jax.numpy as jnp
from jax import lax
from jax.experimental import pallas as pl
from jax.experimental.pallas import tpu as pltpu
from jax.experimental.pallas import tpu_sc as plsc

_C = 100000
_D = 128
_N = 1024
_MOM = 0.9
_TEMP = 0.15
_INV_TEMP = 1.0 / _TEMP

_CB = 10000
_NBLK = _C // _CB
_NSUB = 5
_CSUB = _CB // _NSUB



_SC_NC = 2
_SC_NS = 16
_NW = _SC_NC * _SC_NS
_BPW = _N // _NW


@functools.lru_cache(maxsize=1)
def _sc_gather_fn():
    @functools.partial(
        pl.kernel,
        mesh=plsc.VectorSubcoreMesh(core_axis_name="c", subcore_axis_name="s"),
        out_type=jax.ShapeDtypeStruct((_N, _D), jnp.float32),
        scratch_types=[
            pltpu.VMEM((_BPW,), jnp.int32),
            pltpu.VMEM((_BPW, _D), jnp.float32),
            pltpu.SemaphoreType.DMA,
        ],
    )
    def _sc_gather(table_hbm, idx_hbm, out_hbm, idx_v, rows_v, sem):
        wid = lax.axis_index("s") * _SC_NC + lax.axis_index("c")
        base = wid * _BPW
        pltpu.sync_copy(idx_hbm.at[pl.ds(base, _BPW)], idx_v)
        pltpu.async_copy(table_hbm.at[idx_v], rows_v, sem).wait()
        pltpu.sync_copy(rows_v, out_hbm.at[pl.ds(base, _BPW)])

    return _sc_gather




def _row_normalize(x):
    n = jnp.sqrt(jnp.sum(x * x, axis=1, keepdims=True))
    return x / jnp.clip(n, 1e-12)


_K = 1.4426950408889634 * _INV_TEMP


def _stream_body(feat_ref, protos_ref, out_ref, fb_s, acc_s):
    i = pl.program_id(0)

    @pl.when(i == 0)
    def _init():
        f = _row_normalize(feat_ref[...])
        fb_s[...] = (f * _K).astype(jnp.bfloat16)
        acc_s[...] = jnp.zeros_like(acc_s)

    fb = fb_s[...]
    for k in range(_NSUB):
        blk = protos_ref[pl.ds(k * _CSUB, _CSUB), :].astype(jnp.bfloat16)
        l2 = lax.dot_general(
            fb, blk, (((1,), (1,)), ((), ())),
            preferred_element_type=jnp.float32)
        acc_s[...] += jnp.exp2(l2)

    @pl.when(i == _NBLK - 1)
    def _done():
        out_ref[...] = jnp.sum(acc_s[...], axis=1, keepdims=True)


def _stream_sumexp(features, prototypes):
    return pl.pallas_call(
        _stream_body,
        grid=(_NBLK,),
        in_specs=[
            pl.BlockSpec((_N, _D), lambda i: (0, 0)),
            pl.BlockSpec((_CB, _D), lambda i: (i, 0)),
        ],
        out_specs=pl.BlockSpec((_N, 1), lambda i: (0, 0)),
        out_shape=jax.ShapeDtypeStruct((_N, 1), jnp.float32),
        scratch_shapes=[
            pltpu.VMEM((_N, _D), jnp.bfloat16),
            pltpu.VMEM((_N, _CSUB), jnp.float32),
        ],
    )(features, prototypes)




def _finish_body(feat_ref, lcol_ref, lrow_ref, cw_ref, pg_ref, acc_ref,
                 out_ref):
    f = _row_normalize(feat_ref[...])
    fb = (f * _K).astype(jnp.bfloat16)
    lcol = lcol_ref[...]
    lrow = lrow_ref[...]
    S = (lcol == lrow).astype(jnp.float32)
    ones_n = jnp.ones((_N, 1), jnp.float32)
    counts = jnp.dot(S, ones_n, preferred_element_type=jnp.float32)
    sums = jnp.dot(S, f, preferred_element_type=jnp.float32)
    mean = _row_normalize(sums / jnp.clip(counts, 1.0))
    pg = pg_ref[...]
    upd = _row_normalize(_MOM * pg + (1.0 - _MOM) * mean)
    old2 = lax.dot_general(
        fb, pg.astype(jnp.bfloat16), (((1,), (1,)), ((), ())),
        preferred_element_type=jnp.float32)
    new2 = lax.dot_general(
        f * _K, upd, (((1,), (1,)), ((), ())),
        preferred_element_type=jnp.float32)
    ediff = jnp.exp2(new2) - jnp.exp2(old2)
    winv = 1.0 / counts
    delta = jnp.dot(ediff, winv, preferred_element_type=jnp.float32)
    z = acc_ref[...] + delta
    diag = jnp.sum(f * upd, axis=1, keepdims=True) * _INV_TEMP
    cw = cw_ref[...]
    nll = jnp.log(z) - diag
    num = jnp.sum(nll * cw, axis=(0, 1), keepdims=True)
    den = jnp.sum(cw, axis=(0, 1), keepdims=True)
    out_ref[...] = num / jnp.clip(den, 1e-12)


def _finish(features, labels_col, labels_row, conf_w, pg, acc):
    return pl.pallas_call(
        _finish_body,
        out_shape=jax.ShapeDtypeStruct((1, 1), jnp.float32),
    )(features, labels_col, labels_row, conf_w, pg, acc)


def kernel(features, labels, conf_weights, prototypes):
    labels = labels.astype(jnp.int32)
    pg = _sc_gather_fn()(prototypes, labels)
    acc = _stream_sumexp(features, prototypes)
    out = _finish(
        features,
        labels.reshape(_N, 1),
        labels.reshape(1, _N),
        conf_weights.reshape(_N, 1),
        pg,
        acc,
    )
    return out[0, 0]

# --- scband reference (transcript-rebuilt; emitter-appended) ---
"""Pipeline reference for scband-class-feature-memory-bank-55800215109814 (READ-ONLY COPY).

The authoritative reference and input builder live on the scoring server;
editing this copy changes nothing except your own understanding.
"""

import jax, jax.numpy as jnp
import numpy as np

C = 100000
D = 128
N = 1024
MOM = 0.9
TEMP = 0.15

def _normalize(x):
    return x / jnp.clip(jnp.linalg.norm(x, axis=-1, keepdims=True), 1e-12)

def setup_inputs(seed: int = 0) -> dict:
    key = jax.random.key(seed)
    k1, k2, k3, k4 = jax.random.split(key, 4)
    features = jax.random.normal(k1, (N, D), dtype=jnp.float32)
    labels = jax.random.randint(k2, (N,), 0, C)
    conf_weights = jax.random.uniform(k3, (N,), dtype=jnp.float32)
    # learned/buffer state: L2-normalized prototype memory bank, as in _initialize_prototypes
    prototypes = _normalize(jax.random.normal(k4, (C, D), dtype=jnp.float32))
    return {"features": features, "labels": labels, "conf_weights": conf_weights, "prototypes": prototypes}

def reference(features, labels, conf_weights, prototypes):
    f = _normalize(features)
    # --- update_with_labeled (vectorized over the per-class loop; torch does this under no_grad) ---
    fs = jax.lax.stop_gradient(f)
    sums = jax.ops.segment_sum(fs, labels, num_segments=C)
    counts = jax.ops.segment_sum(jnp.ones((fs.shape[0],), dtype=fs.dtype), labels, num_segments=C)
    class_mean = sums / jnp.clip(counts, 1.0)[:, None]
    class_mean = _normalize(class_mean)
    updated = _normalize(MOM * prototypes + (1.0 - MOM) * class_mean)
    present = (counts > 0)[:, None]
    protos = jnp.where(present, updated, prototypes)
    protos = jax.lax.stop_gradient(protos)
    # --- proto_contrastive_loss (InfoNCE against class prototypes) ---
    logits = (f @ protos.T) / TEMP
    logp = jax.nn.log_softmax(logits, axis=-1)
    nll = -jnp.take_along_axis(logp, labels[:, None], axis=1)[:, 0]
    loss = jnp.sum(nll * conf_weights) / jnp.clip(jnp.sum(conf_weights), 1e-12)
    return loss

if __name__ == "__main__":
    import jax
    _d = setup_inputs()
    print(jax.jit(kernel)(*tuple(_d.values())))

</pallas_src>

<mosaic_0001>
#map = affine_map<(d0, d1) -> (0, 0)>
#map1 = affine_map<(d0, d1) -> (0)>
module attributes {stable_mosaic.version = 14 : i64} {
  func.func @_sc_gather(%arg0: i32, %arg1: i32, %arg2: memref<100000x128xf32, #tpu.memory_space<hbm>>, %arg3: memref<1024xi32, #tpu.memory_space<hbm>>, %arg4: memref<1024x128xf32, #tpu.memory_space<hbm>>, %arg5: memref<32xi32, #tpu.memory_space<vmem>>, %arg6: memref<32x128xf32, #tpu.memory_space<vmem>>, %arg7: memref<!tpu.dma_semaphore, #tpu.memory_space<semaphore_mem>>) attributes {dimension_semantics = [#tpu.dimension_semantics<core_parallel>, #tpu.dimension_semantics<subcore_parallel>], iteration_bounds = array<i64: 2, 16>, scalar_prefetch = 0 : i64, scratch_operands = 3 : i64, tpu.core_type = #tpu.core_type<sc_vector_subcore>, window_params = [{transform_indices = #map}, {transform_indices = #map1}, {transform_indices = #map}]} {
    %mul3A = arith.constant 2 : i32
    %mul3A_0 = arith.muli %arg1, %mul3A : i32
    %add3A = arith.addi %mul3A_0, %arg0 : i32
    %mul3A_1 = arith.constant 32 : i32
    %mul3A_2 = arith.muli %add3A, %mul3A_1 : i32
    "tpu.region"() ({
      %run_scoped3A = tpu.sem_alloc : memref<!tpu.dma_semaphore, #tpu.memory_space<semaphore_mem>>
      %dma_start3A_7 = tpu.memref_slice %arg3[%mul3A_2] : memref<1024xi32, #tpu.memory_space<hbm>> -> memref<32xi32, #tpu.memory_space<hbm>>
      %dma_start3A_8 = tpu.memref_slice %arg3[%mul3A_2] : memref<1024xi32, #tpu.memory_space<hbm>> -> memref<32xi32, #tpu.memory_space<hbm>>
      tpu.enqueue_dma source(%dma_start3A_8 : memref<32xi32, #tpu.memory_space<hbm>>) target(%arg5 : memref<32xi32, #tpu.memory_space<vmem>>) target_semaphore(%run_scoped3A : memref<!tpu.dma_semaphore, #tpu.memory_space<semaphore_mem>>)
      %dma_wait3A_9 = tpu.memref_slice %arg3[%mul3A_2] : memref<1024xi32, #tpu.memory_space<hbm>> -> memref<32xi32, #tpu.memory_space<hbm>>
      %dma_wait3A_10 = tpu.memref_slice %arg3[%mul3A_2] : memref<1024xi32, #tpu.memory_space<hbm>> -> memref<32xi32, #tpu.memory_space<hbm>>
      tpu.wait_dma2 semaphore(%run_scoped3A : memref<!tpu.dma_semaphore, #tpu.memory_space<semaphore_mem>>) src(%dma_wait3A_10 : memref<32xi32, #tpu.memory_space<hbm>>) dst(%arg5 : memref<32xi32, #tpu.memory_space<vmem>>)
      tpu.yield
    }) : () -> ()
    %dma_start3A = arith.constant 0 : i32
    %dma_start3A_3 = arith.constant 0 : i32
    %dma_start3A_4 = tpu.memref_slice %arg2[%dma_start3A, %dma_start3A_3] : memref<100000x128xf32, #tpu.memory_space<hbm>> -> memref<100000x128xf32, #tpu.memory_space<hbm>>
    tpu.enqueue_indirect_dma source(%dma_start3A_4 : memref<100000x128xf32, #tpu.memory_space<hbm>>) target(%arg6 : memref<32x128xf32, #tpu.memory_space<vmem>>) offsets(%arg5 : memref<32xi32, #tpu.memory_space<vmem>>) semaphore(%arg7 : memref<!tpu.dma_semaphore, #tpu.memory_space<semaphore_mem>>)
    %dma_wait3A = arith.constant 0 : i32
    %dma_wait3A_5 = arith.constant 0 : i32
    %dma_wait3A_6 = tpu.memref_slice %arg2[%dma_wait3A, %dma_wait3A_5] : memref<100000x128xf32, #tpu.memory_space<hbm>> -> memref<100000x128xf32, #tpu.memory_space<hbm>>
    tpu.wait_indirect_dma semaphore(%arg7 : memref<!tpu.dma_semaphore, #tpu.memory_space<semaphore_mem>>) src(%dma_wait3A_6 : memref<100000x128xf32, #tpu.memory_space<hbm>>) dst(%arg6 : memref<32x128xf32, #tpu.memory_space<vmem>>)
    "tpu.region"() ({
      %run_scoped3A = tpu.sem_alloc : memref<!tpu.dma_semaphore, #tpu.memory_space<semaphore_mem>>
      %dma_start3A_7 = arith.constant 0 : i32
      %dma_start3A_8 = tpu.memref_slice %arg4[%mul3A_2, %dma_start3A_7] : memref<1024x128xf32, #tpu.memory_space<hbm>> -> memref<32x128xf32, #tpu.memory_space<hbm>>
      %dma_start3A_9 = arith.constant 0 : i32
      %dma_start3A_10 = tpu.memref_slice %arg4[%mul3A_2, %dma_start3A_9] : memref<1024x128xf32, #tpu.memory_space<hbm>> -> memref<32x128xf32, #tpu.memory_space<hbm>>
      tpu.enqueue_dma source(%arg6 : memref<32x128xf32, #tpu.memory_space<vmem>>) target(%dma_start3A_10 : memref<32x128xf32, #tpu.memory_space<hbm>>) target_semaphore(%run_scoped3A : memref<!tpu.dma_semaphore, #tpu.memory_space<semaphore_mem>>)
      %dma_wait3A_11 = arith.constant 0 : i32
      %dma_wait3A_12 = tpu.memref_slice %arg4[%mul3A_2, %dma_wait3A_11] : memref<1024x128xf32, #tpu.memory_space<hbm>> -> memref<32x128xf32, #tpu.memory_space<hbm>>
      %dma_wait3A_13 = arith.constant 0 : i32
      %dma_wait3A_14 = tpu.memref_slice %arg4[%mul3A_2, %dma_wait3A_13] : memref<1024x128xf32, #tpu.memory_space<hbm>> -> memref<32x128xf32, #tpu.memory_space<hbm>>
      tpu.wait_dma2 semaphore(%run_scoped3A : memref<!tpu.dma_semaphore, #tpu.memory_space<semaphore_mem>>) src(%arg6 : memref<32x128xf32, #tpu.memory_space<vmem>>) dst(%dma_wait3A_14 : memref<32x128xf32, #tpu.memory_space<hbm>>)
      tpu.yield
    }) : () -> ()
    return
  }
}

module attributes {stable_mosaic.version = 14 : i64} {
  func.func @_stream_body(%arg0: i32, %arg1: memref<1024x128xf32, #tpu.memory_space<vmem>>, %arg2: memref<10000x128xf32, #tpu.memory_space<vmem>>, %arg3: memref<1024x1xf32, #tpu.memory_space<vmem>>, %arg4: memref<1024x128xbf16, #tpu.memory_space<vmem>>, %arg5: memref<1024x2000xf32, #tpu.memory_space<vmem>>) attributes {dimension_semantics = [#tpu.dimension_semantics<arbitrary>], iteration_bounds = array<i64: 10>, scalar_prefetch = 0 : i64, scratch_operands = 2 : i64, tpu.core_type = #tpu.core_type<tc>, window_params = [{pipeline_mode = #tpu.pipeline_mode<synchronous>, transform_indices = @transform_0, window_bounds = array<i64: 1024, 128>}, {transform_indices = @transform_1, window_bounds = array<i64: 10000, 128>}, {pipeline_mode = #tpu.pipeline_mode<synchronous>, transform_indices = @transform_2, window_bounds = array<i64: 1024, 1>}]} {
    %eq3A = arith.constant 0 : i32
    %eq3A_0 = arith.cmpi eq, %arg0, %eq3A : i32
    %convert_element_type3A = arith.extui %eq3A_0 : i1 to i32
    %cond3A = arith.constant 0 : i32
    %cond3A_1 = arith.cmpi ne, %convert_element_type3A, %cond3A : i32
    scf.if %cond3A_1 {
      %get3A_75 = arith.constant 0 : index
      %get3A_76 = arith.constant 0 : index
      %get3A_77 = vector.load %arg1[%get3A_75, %get3A_76] : memref<1024x128xf32, #tpu.memory_space<vmem>>, vector<1024x128xf32>
      %mul3A = arith.mulf %get3A_77, %get3A_77 : vector<1024x128xf32>
      %reduce_sum3A = arith.constant dense<0.000000e+00> : vector<1024xf32>
      %reduce_sum3A_78 = vector.multi_reduction <add>, %mul3A, %reduce_sum3A [1] : vector<1024x128xf32> to vector<1024xf32>
      %broadcast_in_dim3A = vector.shape_cast %reduce_sum3A_78 : vector<1024xf32> to vector<1024x1xf32>
      %sqrt3A = math.sqrt %broadcast_in_dim3A : vector<1024x1xf32>
      %jit3A = arith.constant 9.99999996E-13 : f32
      %max3A = vector.broadcast %jit3A : f32 to vector<1024x1xf32>
      %max3A_79 = arith.maximumf %max3A, %sqrt3A : vector<1024x1xf32>
      %div3A = vector.broadcast %max3A_79 : vector<1024x1xf32> to vector<1024x128xf32>
      %div3A_80 = arith.divf %get3A_77, %div3A : vector<1024x128xf32>
      %mul3A_81 = arith.constant 9.61796665 : f32
      %mul3A_82 = vector.broadcast %mul3A_81 : f32 to vector<1024x128xf32>
      %mul3A_83 = arith.mulf %div3A_80, %mul3A_82 : vector<1024x128xf32>
      %convert_element_type3A_84 = arith.truncf %mul3A_83 : vector<1024x128xf32> to vector<1024x128xbf16>
      %swap3A_85 = arith.constant 0 : index
      %swap3A_86 = arith.constant 0 : index
      %swap3A_87 = vector.load %arg4[%swap3A_85, %swap3A_86] : memref<1024x128xbf16, #tpu.memory_space<vmem>>, vector<1024x128xbf16>
      tpu.vector_store %arg4[%swap3A_85, %swap3A_86], %convert_element_type3A_84 {strides = array<i32>} : memref<1024x128xbf16, #tpu.memory_space<vmem>>, vector<1024x128xbf16>,
      %broadcast_in_dim3A_88 = arith.constant 0.000000e+00 : f32
      %broadcast_in_dim3A_89 = vector.broadcast %broadcast_in_dim3A_88 : f32 to vector<1024x2000xf32>
      %swap3A_90 = arith.constant 0 : index
      %swap3A_91 = arith.constant 0 : index
      %swap3A_92 = vector.load %arg5[%swap3A_90, %swap3A_91] : memref<1024x2000xf32, #tpu.memory_space<vmem>>, vector<1024x2000xf32>
      tpu.vector_store %arg5[%swap3A_90, %swap3A_91], %broadcast_in_dim3A_89 {strides = array<i32>} : memref<1024x2000xf32, #tpu.memory_space<vmem>>, vector<1024x2000xf32>,
    } else {
    }
    %get3A = arith.constant 0 : index
    %get3A_2 = arith.constant 0 : index
    %get3A_3 = vector.load %arg4[%get3A, %get3A_2] : memref<1024x128xbf16, #tpu.memory_space<vmem>>, vector<1024x128xbf16>
    %get3A_4 = arith.constant 0 : index
    %get3A_5 = arith.constant 0 : index
    %get3A_6 = vector.load %arg2[%get3A_4, %get3A_5] : memref<10000x128xf32, #tpu.memory_space<vmem>>, vector<2000x128xf32>
    %convert_element_type3A_7 = arith.truncf %get3A_6 : vector<2000x128xf32> to vector<2000x128xbf16>
    %dot_general3A = arith.constant dense<0.000000e+00> : vector<1024x2000xf32>
    %dot_general3A_8 = tpu.matmul %get3A_3, %convert_element_type3A_7, %dot_general3A {dimension_numbers = #tpu.dot_dimension_numbers<[1], [1], [0], [0], [0, 0, 1, 0], [], []>, transpose_lhs_hint = false} : vector<1024x128xbf16>, vector<2000x128xbf16>, vector<1024x2000xf32> -> vector<1024x2000xf32>
    %get3A_9 = arith.constant 0 : index
    %get3A_10 = arith.constant 0 : index
    %get3A_11 = vector.load %arg5[%get3A_9, %get3A_10] : memref<1024x2000xf32, #tpu.memory_space<vmem>>, vector<1024x2000xf32>
    %exp23A = math.exp2 %dot_general3A_8 : vector<1024x2000xf32>
    %add3A = arith.addf %get3A_11, %exp23A : vector<1024x2000xf32>
    %swap3A = arith.constant 0 : index
    %swap3A_12 = arith.constant 0 : index
    %swap3A_13 = vector.load %arg5[%swap3A, %swap3A_12] : memref<1024x2000xf32, #tpu.memory_space<vmem>>, vector<1024x2000xf32>
    tpu.vector_store %arg5[%swap3A, %swap3A_12], %add3A {strides = array<i32>} : memref<1024x2000xf32, #tpu.memory_space<vmem>>, vector<1024x2000xf32>,
    %get3A_14 = arith.constant 2000 : index
    %get3A_15 = arith.constant 0 : index
    %get3A_16 = vector.load %arg2[%get3A_14, %get3A_15] : memref<10000x128xf32, #tpu.memory_space<vmem>>, vector<2000x128xf32>
    %convert_element_type3A_17 = arith.truncf %get3A_16 : vector<2000x128xf32> to vector<2000x128xbf16>
    %dot_general3A_18 = arith.constant dense<0.000000e+00> : vector<1024x2000xf32>
    %dot_general3A_19 = tpu.matmul %get3A_3, %convert_element_type3A_17, %dot_general3A_18 {dimension_numbers = #tpu.dot_dimension_numbers<[1], [1], [0], [0], [0, 0, 1, 0], [], []>, transpose_lhs_hint = false} : vector<1024x128xbf16>, vector<2000x128xbf16>, vector<1024x2000xf32> -> vector<1024x2000xf32>
    %get3A_20 = arith.constant 0 : index
    %get3A_21 = arith.constant 0 : index
    %get3A_22 = vector.load %arg5[%get3A_20, %get3A_21] : memref<1024x2000xf32, #tpu.memory_space<vmem>>, vector<1024x2000xf32>
    %exp23A_23 = math.exp2 %dot_general3A_19 : vector<1024x2000xf32>
    %add3A_24 = arith.addf %get3A_22, %exp23A_23 : vector<1024x2000xf32>
    %swap3A_25 = arith.constant 0 : index
    %swap3A_26 = arith.constant 0 : index
    %swap3A_27 = vector.load %arg5[%swap3A_25, %swap3A_26] : memref<1024x2000xf32, #tpu.memory_space<vmem>>, vector<1024x2000xf32>
    tpu.vector_store %arg5[%swap3A_25, %swap3A_26], %add3A_24 {strides = array<i32>} : memref<1024x2000xf32, #tpu.memory_space<vmem>>, vector<1024x2000xf32>,
    %get3A_28 = arith.constant 4000 : index
    %get3A_29 = arith.constant 0 : index
    %get3A_30 = vector.load %arg2[%get3A_28, %get3A_29] : memref<10000x128xf32, #tpu.memory_space<vmem>>, vector<2000x128xf32>
    %convert_element_type3A_31 = arith.truncf %get3A_30 : vector<2000x128xf32> to vector<2000x128xbf16>
    %dot_general3A_32 = arith.constant dense<0.000000e+00> : vector<1024x2000xf32>
    %dot_general3A_33 = tpu.matmul %get3A_3, %convert_element_type3A_31, %dot_general3A_32 {dimension_numbers = #tpu.dot_dimension_numbers<[1], [1], [0], [0], [0, 0, 1, 0], [], []>, transpose_lhs_hint = false} : vector<1024x128xbf16>, vector<2000x128xbf16>, vector<1024x2000xf32> -> vector<1024x2000xf32>
    %get3A_34 = arith.constant 0 : index
    %get3A_35 = arith.constant 0 : index
    %get3A_36 = vector.load %arg5[%get3A_34, %get3A_35] : memref<1024x2000xf32, #tpu.memory_space<vmem>>, vector<1024x2000xf32>
    %exp23A_37 = math.exp2 %dot_general3A_33 : vector<1024x2000xf32>
    %add3A_38 = arith.addf %get3A_36, %exp23A_37 : vector<1024x2000xf32>
    %swap3A_39 = arith.constant 0 : index
    %swap3A_40 = arith.constant 0 : index
    %swap3A_41 = vector.load %arg5[%swap3A_39, %swap3A_40] : memref<1024x2000xf32, #tpu.memory_space<vmem>>, vector<1024x2000xf32>
    tpu.vector_store %arg5[%swap3A_39, %swap3A_40], %add3A_38 {strides = array<i32>} : memref<1024x2000xf32, #tpu.memory_space<vmem>>, vector<1024x2000xf32>,
    %get3A_42 = arith.constant 6000 : index
    %get3A_43 = arith.constant 0 : index
    %get3A_44 = vector.load %arg2[%get3A_42, %get3A_43] : memref<10000x128xf32, #tpu.memory_space<vmem>>, vector<2000x128xf32>
    %convert_element_type3A_45 = arith.truncf %get3A_44 : vector<2000x128xf32> to vector<2000x128xbf16>
    %dot_general3A_46 = arith.constant dense<0.000000e+00> : vector<1024x2000xf32>
    %dot_general3A_47 = tpu.matmul %get3A_3, %convert_element_type3A_45, %dot_general3A_46 {dimension_numbers = #tpu.dot_dimension_numbers<[1], [1], [0], [0], [0, 0, 1, 0], [], []>, transpose_lhs_hint = false} : vector<1024x128xbf16>, vector<2000x128xbf16>, vector<1024x2000xf32> -> vector<1024x2000xf32>
    %get3A_48 = arith.constant 0 : index
    %get3A_49 = arith.constant 0 : index
    %get3A_50 = vector.load %arg5[%get3A_48, %get3A_49] : memref<1024x2000xf32, #tpu.memory_space<vmem>>, vector<1024x2000xf32>
    %exp23A_51 = math.exp2 %dot_general3A_47 : vector<1024x2000xf32>
    %add3A_52 = arith.addf %get3A_50, %exp23A_51 : vector<1024x2000xf32>
    %swap3A_53 = arith.constant 0 : index
    %swap3A_54 = arith.constant 0 : index
    %swap3A_55 = vector.load %arg5[%swap3A_53, %swap3A_54] : memref<1024x2000xf32, #tpu.memory_space<vmem>>, vector<1024x2000xf32>
    tpu.vector_store %arg5[%swap3A_53, %swap3A_54], %add3A_52 {strides = array<i32>} : memref<1024x2000xf32, #tpu.memory_space<vmem>>, vector<1024x2000xf32>,
    %get3A_56 = arith.constant 8000 : index
    %get3A_57 = arith.constant 0 : index
    %get3A_58 = vector.load %arg2[%get3A_56, %get3A_57] : memref<10000x128xf32, #tpu.memory_space<vmem>>, vector<2000x128xf32>
    %convert_element_type3A_59 = arith.truncf %get3A_58 : vector<2000x128xf32> to vector<2000x128xbf16>
    %dot_general3A_60 = arith.constant dense<0.000000e+00> : vector<1024x2000xf32>
    %dot_general3A_61 = tpu.matmul %get3A_3, %convert_element_type3A_59, %dot_general3A_60 {dimension_numbers = #tpu.dot_dimension_numbers<[1], [1], [0], [0], [0, 0, 1, 0], [], []>, transpose_lhs_hint = false} : vector<1024x128xbf16>, vector<2000x128xbf16>, vector<1024x2000xf32> -> vector<1024x2000xf32>
    %get3A_62 = arith.constant 0 : index
    %get3A_63 = arith.constant 0 : index
    %get3A_64 = vector.load %arg5[%get3A_62, %get3A_63] : memref<1024x2000xf32, #tpu.memory_space<vmem>>, vector<1024x2000xf32>
    %exp23A_65 = math.exp2 %dot_general3A_61 : vector<1024x2000xf32>
    %add3A_66 = arith.addf %get3A_64, %exp23A_65 : vector<1024x2000xf32>
    %swap3A_67 = arith.constant 0 : index
    %swap3A_68 = arith.constant 0 : index
    %swap3A_69 = vector.load %arg5[%swap3A_67, %swap3A_68] : memref<1024x2000xf32, #tpu.memory_space<vmem>>, vector<1024x2000xf32>
    tpu.vector_store %arg5[%swap3A_67, %swap3A_68], %add3A_66 {strides = array<i32>} : memref<1024x2000xf32, #tpu.memory_space<vmem>>, vector<1024x2000xf32>,
    %eq3A_70 = arith.constant 9 : i32
    %eq3A_71 = arith.cmpi eq, %arg0, %eq3A_70 : i32
    %convert_element_type3A_72 = arith.extui %eq3A_71 : i1 to i32
    %cond3A_73 = arith.constant 0 : i32
    %cond3A_74 = arith.cmpi ne, %convert_element_type3A_72, %cond3A_73 : i32
    scf.if %cond3A_74 {
      %get3A_75 = arith.constant 0 : index
      %get3A_76 = arith.constant 0 : index
      %get3A_77 = vector.load %arg5[%get3A_75, %get3A_76] : memref<1024x2000xf32, #tpu.memory_space<vmem>>, vector<1024x2000xf32>
      %reduce_sum3A = arith.constant dense<0.000000e+00> : vector<1024xf32>
      %reduce_sum3A_78 = vector.multi_reduction <add>, %get3A_77, %reduce_sum3A [1] : vector<1024x2000xf32> to vector<1024xf32>
      %broadcast_in_dim3A = vector.shape_cast %reduce_sum3A_78 : vector<1024xf32> to vector<1024x1xf32>
      %swap3A_79 = arith.constant 0 : index
      %swap3A_80 = arith.constant 0 : index
      %swap3A_81 = vector.load %arg3[%swap3A_79, %swap3A_80] : memref<1024x1xf32, #tpu.memory_space<vmem>>, vector<1024x1xf32>
      tpu.vector_store %arg3[%swap3A_79, %swap3A_80], %broadcast_in_dim3A {strides = array<i32>} : memref<1024x1xf32, #tpu.memory_space<vmem>>, vector<1024x1xf32>,
    } else {
    }
    return
  }
  func.func @transform_0(%arg0: i32) -> (i32, i32) {
    %c0_i32 = arith.constant 0 : i32
    %c0_i32_0 = arith.constant 0 : i32
    %c0_i32_1 = arith.constant 0 : i32
    return %c0_i32, %c0_i32_0 : i32, i32
  }
  func.func @transform_1(%arg0: i32) -> (i32, i32) {
    %c0_i32 = arith.constant 0 : i32
    %c0_i32_0 = arith.constant 0 : i32
    return %arg0, %c0_i32 : i32, i32
  }
  func.func @transform_2(%arg0: i32) -> (i32, i32) {
    %c0_i32 = arith.constant 0 : i32
    %c0_i32_0 = arith.constant 0 : i32
    %c0_i32_1 = arith.constant 0 : i32
    return %c0_i32, %c0_i32_0 : i32, i32
  }
}

module attributes {stable_mosaic.version = 14 : i64} {
  func.func @_finish_body(%arg0: memref<1024x128xf32, #tpu.memory_space<vmem>>, %arg1: memref<1024x1xi32, #tpu.memory_space<vmem>>, %arg2: memref<1x1024xi32, #tpu.memory_space<vmem>>, %arg3: memref<1024x1xf32, #tpu.memory_space<vmem>>, %arg4: memref<1024x128xf32, #tpu.memory_space<vmem>>, %arg5: memref<1024x1xf32, #tpu.memory_space<vmem>>, %arg6: memref<1x1xf32, #tpu.memory_space<vmem>>) attributes {dimension_semantics = [], scalar_prefetch = 0 : i64, scratch_operands = 0 : i64, tpu.core_type = #tpu.core_type<tc>} {
    %get3A = arith.constant 0 : index
    %get3A_0 = arith.constant 0 : index
    %get3A_1 = vector.load %arg0[%get3A, %get3A_0] : memref<1024x128xf32, #tpu.memory_space<vmem>>, vector<1024x128xf32>
    %mul3A = arith.mulf %get3A_1, %get3A_1 : vector<1024x128xf32>
    %reduce_sum3A = arith.constant dense<0.000000e+00> : vector<1024xf32>
    %reduce_sum3A_2 = vector.multi_reduction <add>, %mul3A, %reduce_sum3A [1] : vector<1024x128xf32> to vector<1024xf32>
    %broadcast_in_dim3A = vector.shape_cast %reduce_sum3A_2 : vector<1024xf32> to vector<1024x1xf32>
    %sqrt3A = math.sqrt %broadcast_in_dim3A : vector<1024x1xf32>
    %jit3A = arith.constant 9.99999996E-13 : f32
    %max3A = vector.broadcast %jit3A : f32 to vector<1024x1xf32>
    %max3A_3 = arith.maximumf %max3A, %sqrt3A : vector<1024x1xf32>
    %div3A = vector.broadcast %max3A_3 : vector<1024x1xf32> to vector<1024x128xf32>
    %div3A_4 = arith.divf %get3A_1, %div3A : vector<1024x128xf32>
    %mul3A_5 = arith.constant 9.61796665 : f32
    %mul3A_6 = vector.broadcast %mul3A_5 : f32 to vector<1024x128xf32>
    %mul3A_7 = arith.mulf %div3A_4, %mul3A_6 : vector<1024x128xf32>
    %convert_element_type3A = arith.truncf %mul3A_7 : vector<1024x128xf32> to vector<1024x128xbf16>
    %get3A_8 = arith.constant 0 : index
    %get3A_9 = arith.constant 0 : index
    %get3A_10 = vector.load %arg1[%get3A_8, %get3A_9] : memref<1024x1xi32, #tpu.memory_space<vmem>>, vector<1024x1xi32>
    %get3A_11 = arith.constant 0 : index
    %get3A_12 = arith.constant 0 : index
    %get3A_13 = vector.load %arg2[%get3A_11, %get3A_12] : memref<1x1024xi32, #tpu.memory_space<vmem>>, vector<1x1024xi32>
    %eq3A = vector.broadcast %get3A_10 : vector<1024x1xi32> to vector<1024x1024xi32>
    %eq3A_14 = vector.broadcast %get3A_13 : vector<1x1024xi32> to vector<1024x1024xi32>
    %eq3A_15 = arith.cmpi eq, %eq3A, %eq3A_14 : vector<1024x1024xi32>
    %convert_element_type3A_16 = arith.extui %eq3A_15 : vector<1024x1024xi1> to vector<1024x1024xi32>
    %convert_element_type3A_17 = arith.sitofp %convert_element_type3A_16 : vector<1024x1024xi32> to vector<1024x1024xf32>
    %broadcast_in_dim3A_18 = arith.constant 1.000000e+00 : f32
    %broadcast_in_dim3A_19 = vector.broadcast %broadcast_in_dim3A_18 : f32 to vector<1024x1xf32>
    %dot_general3A = arith.constant dense<0.000000e+00> : vector<1024x1xf32>
    %dot_general3A_20 = tpu.matmul %convert_element_type3A_17, %broadcast_in_dim3A_19, %dot_general3A {dimension_numbers = #tpu.dot_dimension_numbers<[1], [0], [0], [1], [0, 0, 1, 1], [], []>, transpose_lhs_hint = false} : vector<1024x1024xf32>, vector<1024x1xf32>, vector<1024x1xf32> -> vector<1024x1xf32>
    %dot_general3A_21 = arith.constant dense<0.000000e+00> : vector<1024x128xf32>
    %dot_general3A_22 = tpu.matmul %convert_element_type3A_17, %div3A_4, %dot_general3A_21 {dimension_numbers = #tpu.dot_dimension_numbers<[1], [0], [0], [1], [0, 0, 1, 1], [], []>, transpose_lhs_hint = false} : vector<1024x1024xf32>, vector<1024x128xf32>, vector<1024x128xf32> -> vector<1024x128xf32>
    %jit3A_23 = arith.constant 1.000000e+00 : f32
    %max3A_24 = vector.broadcast %jit3A_23 : f32 to vector<1024x1xf32>
    %max3A_25 = arith.maximumf %max3A_24, %dot_general3A_20 : vector<1024x1xf32>
    %div3A_26 = vector.broadcast %max3A_25 : vector<1024x1xf32> to vector<1024x128xf32>
    %div3A_27 = arith.divf %dot_general3A_22, %div3A_26 : vector<1024x128xf32>
    %mul3A_28 = arith.mulf %div3A_27, %div3A_27 : vector<1024x128xf32>
    %reduce_sum3A_29 = arith.constant dense<0.000000e+00> : vector<1024xf32>
    %reduce_sum3A_30 = vector.multi_reduction <add>, %mul3A_28, %reduce_sum3A_29 [1] : vector<1024x128xf32> to vector<1024xf32>
    %broadcast_in_dim3A_31 = vector.shape_cast %reduce_sum3A_30 : vector<1024xf32> to vector<1024x1xf32>
    %sqrt3A_32 = math.sqrt %broadcast_in_dim3A_31 : vector<1024x1xf32>
    %jit3A_33 = arith.constant 9.99999996E-13 : f32
    %max3A_34 = vector.broadcast %jit3A_33 : f32 to vector<1024x1xf32>
    %max3A_35 = arith.maximumf %max3A_34, %sqrt3A_32 : vector<1024x1xf32>
    %div3A_36 = vector.broadcast %max3A_35 : vector<1024x1xf32> to vector<1024x128xf32>
    %div3A_37 = arith.divf %div3A_27, %div3A_36 : vector<1024x128xf32>
    %get3A_38 = arith.constant 0 : index
    %get3A_39 = arith.constant 0 : index
    %get3A_40 = vector.load %arg4[%get3A_38, %get3A_39] : memref<1024x128xf32, #tpu.memory_space<vmem>>, vector<1024x128xf32>
    %mul3A_41 = arith.constant 0.899999976 : f32
    %mul3A_42 = vector.broadcast %mul3A_41 : f32 to vector<1024x128xf32>
    %mul3A_43 = arith.mulf %mul3A_42, %get3A_40 : vector<1024x128xf32>
    %mul3A_44 = arith.constant 1.000000e-01 : f32
    %mul3A_45 = vector.broadcast %mul3A_44 : f32 to vector<1024x128xf32>
    %mul3A_46 = arith.mulf %mul3A_45, %div3A_37 : vector<1024x128xf32>
    %add3A = arith.addf %mul3A_43, %mul3A_46 : vector<1024x128xf32>
    %mul3A_47 = arith.mulf %add3A, %add3A : vector<1024x128xf32>
    %reduce_sum3A_48 = arith.constant dense<0.000000e+00> : vector<1024xf32>
    %reduce_sum3A_49 = vector.multi_reduction <add>, %mul3A_47, %reduce_sum3A_48 [1] : vector<1024x128xf32> to vector<1024xf32>
    %broadcast_in_dim3A_50 = vector.shape_cast %reduce_sum3A_49 : vector<1024xf32> to vector<1024x1xf32>
    %sqrt3A_51 = math.sqrt %broadcast_in_dim3A_50 : vector<1024x1xf32>
    %jit3A_52 = arith.constant 9.99999996E-13 : f32
    %max3A_53 = vector.broadcast %jit3A_52 : f32 to vector<1024x1xf32>
    %max3A_54 = arith.maximumf %max3A_53, %sqrt3A_51 : vector<1024x1xf32>
    %div3A_55 = vector.broadcast %max3A_54 : vector<1024x1xf32> to vector<1024x128xf32>
    %div3A_56 = arith.divf %add3A, %div3A_55 : vector<1024x128xf32>
    %convert_element_type3A_57 = arith.truncf %get3A_40 : vector<1024x128xf32> to vector<1024x128xbf16>
    %dot_general3A_58 = arith.constant dense<0.000000e+00> : vector<1024x1024xf32>
    %dot_general3A_59 = tpu.matmul %convert_element_type3A, %convert_element_type3A_57, %dot_general3A_58 {dimension_numbers = #tpu.dot_dimension_numbers<[1], [1], [0], [0], [0, 0, 1, 0], [], []>, transpose_lhs_hint = false} : vector<1024x128xbf16>, vector<1024x128xbf16>, vector<1024x1024xf32> -> vector<1024x1024xf32>
    %mul3A_60 = arith.constant 9.61796665 : f32
    %mul3A_61 = vector.broadcast %mul3A_60 : f32 to vector<1024x128xf32>
    %mul3A_62 = arith.mulf %div3A_4, %mul3A_61 : vector<1024x128xf32>
    %dot_general3A_63 = arith.constant dense<0.000000e+00> : vector<1024x1024xf32>
    %dot_general3A_64 = tpu.matmul %mul3A_62, %div3A_56, %dot_general3A_63 {dimension_numbers = #tpu.dot_dimension_numbers<[1], [1], [0], [0], [0, 0, 1, 0], [], []>, transpose_lhs_hint = false} : vector<1024x128xf32>, vector<1024x128xf32>, vector<1024x1024xf32> -> vector<1024x1024xf32>
    %exp23A = math.exp2 %dot_general3A_64 : vector<1024x1024xf32>
    %exp23A_65 = math.exp2 %dot_general3A_59 : vector<1024x1024xf32>
    %sub3A = arith.subf %exp23A, %exp23A_65 : vector<1024x1024xf32>
    %div3A_66 = arith.constant 1.000000e+00 : f32
    %div3A_67 = vector.broadcast %div3A_66 : f32 to vector<1024x1xf32>
    %div3A_68 = arith.divf %div3A_67, %dot_general3A_20 : vector<1024x1xf32>
    %dot_general3A_69 = arith.constant dense<0.000000e+00> : vector<1024x1xf32>
    %dot_general3A_70 = tpu.matmul %sub3A, %div3A_68, %dot_general3A_69 {dimension_numbers = #tpu.dot_dimension_numbers<[1], [0], [0], [1], [0, 0, 1, 1], [], []>, transpose_lhs_hint = false} : vector<1024x1024xf32>, vector<1024x1xf32>, vector<1024x1xf32> -> vector<1024x1xf32>
    %get3A_71 = arith.constant 0 : index
    %get3A_72 = arith.constant 0 : index
    %get3A_73 = vector.load %arg5[%get3A_71, %get3A_72] : memref<1024x1xf32, #tpu.memory_space<vmem>>, vector<1024x1xf32>
    %add3A_74 = arith.addf %get3A_73, %dot_general3A_70 : vector<1024x1xf32>
    %mul3A_75 = arith.mulf %div3A_4, %div3A_56 : vector<1024x128xf32>
    %reduce_sum3A_76 = arith.constant dense<0.000000e+00> : vector<1024xf32>
    %reduce_sum3A_77 = vector.multi_reduction <add>, %mul3A_75, %reduce_sum3A_76 [1] : vector<1024x128xf32> to vector<1024xf32>
    %broadcast_in_dim3A_78 = vector.shape_cast %reduce_sum3A_77 : vector<1024xf32> to vector<1024x1xf32>
    %mul3A_79 = arith.constant 6.66666651 : f32
    %mul3A_80 = vector.broadcast %mul3A_79 : f32 to vector<1024x1xf32>
    %mul3A_81 = arith.mulf %broadcast_in_dim3A_78, %mul3A_80 : vector<1024x1xf32>
    %get3A_82 = arith.constant 0 : index
    %get3A_83 = arith.constant 0 : index
    %get3A_84 = vector.load %arg3[%get3A_82, %get3A_83] : memref<1024x1xf32, #tpu.memory_space<vmem>>, vector<1024x1xf32>
    %log3A = math.log %add3A_74 : vector<1024x1xf32>
    %sub3A_85 = arith.subf %log3A, %mul3A_81 : vector<1024x1xf32>
    %mul3A_86 = arith.mulf %sub3A_85, %get3A_84 : vector<1024x1xf32>
    %reduce_sum3A_87 = vector.shape_cast %mul3A_86 : vector<1024x1xf32> to vector<1x1024x1xf32>
    %reduce_sum3A_88 = arith.constant dense<0.000000e+00> : vector<1xf32>
    %reduce_sum3A_89 = vector.multi_reduction <add>, %reduce_sum3A_87, %reduce_sum3A_88 [1, 2] : vector<1x1024x1xf32> to vector<1xf32>
    %reduce_sum3A_90 = vector.shape_cast %reduce_sum3A_89 : vector<1xf32> to vector<1x1x1xf32>
    %reduce_sum3A_91 = vector.extract %reduce_sum3A_90[0, 0, 0] : f32 from vector<1x1x1xf32>
    %broadcast_in_dim3A_92 = vector.broadcast %reduce_sum3A_91 : f32 to vector<1x1xf32>
    %reduce_sum3A_93 = vector.shape_cast %get3A_84 : vector<1024x1xf32> to vector<1x1024x1xf32>
    %reduce_sum3A_94 = arith.constant dense<0.000000e+00> : vector<1xf32>
    %reduce_sum3A_95 = vector.multi_reduction <add>, %reduce_sum3A_93, %reduce_sum3A_94 [1, 2] : vector<1x1024x1xf32> to vector<1xf32>
    %reduce_sum3A_96 = vector.shape_cast %reduce_sum3A_95 : vector<1xf32> to vector<1x1x1xf32>
    %reduce_sum3A_97 = vector.extract %reduce_sum3A_96[0, 0, 0] : f32 from vector<1x1x1xf32>
    %broadcast_in_dim3A_98 = vector.broadcast %reduce_sum3A_97 : f32 to vector<1x1xf32>
    %jit3A_99 = arith.constant 9.99999996E-13 : f32
    %max3A_100 = vector.broadcast %jit3A_99 : f32 to vector<1x1xf32>
    %max3A_101 = arith.maximumf %max3A_100, %broadcast_in_dim3A_98 : vector<1x1xf32>
    %div3A_102 = arith.divf %broadcast_in_dim3A_92, %max3A_101 : vector<1x1xf32>
    %swap3A = arith.constant 0 : index
    %swap3A_103 = arith.constant 0 : index
    %swap3A_104 = vector.load %arg6[%swap3A, %swap3A_103] : memref<1x1xf32, #tpu.memory_space<vmem>>, vector<1x1xf32>
    tpu.vector_store %arg6[%swap3A, %swap3A_103], %div3A_102 {strides = array<i32>} : memref<1x1xf32, #tpu.memory_space<vmem>>, vector<1x1xf32>,
    return
  }
}

</mosaic_0001>

<sc_bundles>
// kernel: kernel.5.cloned.1.call-start
scs
__scs_entry_jumppad:
0x0: {  	(pc) =	sbr.rel $0x88, $3  }
0x1: {  	(tag) =	ssettag $0x0;
	lr =	simm.s32 $0x1  }
0x2: {  	[smem:$0x3F9D] =	sst lr;
	_ =	strace $0xD0000000  }
0x3: {  	_ = 	snop  }
0x4: {  	_ = 	snop  }
0x5: {  	_ = 	snop  }
0x6: {  	_ = 	snop  }
0x7: {  	_ = 	snop  }
__scs_overlays_trampoline_lowered:
0x8: {  	[smem:$0x3FAC] =	sst s0  }
0x9: {  	[smem:$0x3FAD] =	sst s1  }
0xa: {  	[smem:$0x3FAE] =	sst s2  }
0xb: {  	[smem:$0x3FAF] =	sst s3  }
0xc: {  	[smem:$0x3FB0] =	sst s4  }
0xd: {  	[smem:$0x3FB1] =	sst s5  }
0xe: {  	[smem:$0x3FB2] =	sst s6  }
0xf: {  	[smem:$0x3FB3] =	sst s7  }
0x10: {  	[smem:$0x3FB4] =	sst s8  }
0x11: {  	[smem:$0x3FB5] =	sst s9;
	s0 =	simm.s32 @!p0 $0x0  }
0x12: {  	s1 =	sld [smem:$0x3F9B];
	s0 =	simm.s32 @p0 $0x1  }
0x13: {  	[smem:$0x3FB6] =	sst s0;
	s0 =	simm.s32 @!p1 $0x0  }
0x14: {  	s2 =	sld [smem:$0x3F9A];
	s0 =	simm.s32 @p1 $0x1  }
0x15: {  	[smem:$0x3FB7] =	sst s0;
	s0 =	simm.s32 @!p2 $0x0  }
0x16: {  	s3 =	sld [smem:$0x3FDB];
	s0 =	simm.s32 @p2 $0x1  }
0x17: {  	s4 =	simm.s32 $0x1BF5;
	[smem:$0x3FB9] =	sst s0  }
0x18: {  	s0 =	sld [smem:$0x3F9C];
	_ =	swait.ge [sflag:s4], $0x0  }
0x19: {  	s7 =	sld [smem:$0x3F9D]  }
0x1a: {  	s8 =	sadd.s32 $0xFFFFE003, lr  }
0x1b: {  	s9 =	sadd.s32 $0xFFFFFEF7, lr;
	s5 =	simm.s32 $0xFFFFFFFF;
	p2 =	slt.u32 s8, $0xFFFFF086  }
0x1c: {  	p1 =	slt.u32 s9, $0xF7A;
	s5 =	simm.s32 @!p2 $0x0  }
0x1d: {  	s5 =	simm.s32 @p1 $0x1;
	p0 =	seq.s32 s7, s2  }
0x1e: {  	s7 =	smul.u32 @!p0 $0xF7A, s2;
	p2 =	seq.s32 @!p0 s5, $0x0  }
0x1f: {  	s9 =	smul.u32 $0xF7A, s1;
	s8 =	simm.s32 @!p0 $0x1BF5;
	p2 =	por !p2, p0  }
0x20: {  	[sflag:s8] =	ssyncset.s32 @!p0 $0xFFFFF086;
	s6 =	sadd.s32 @!p0 s3, s7;
	s7 =	simm.s32 @!p0 $0x108  }
0x21: {  	s3 =	sadd.s32 s3, s9;
	s6 =	sadd.s32 @!p0 $0x88, s6;
	s7 =	simm.s32 @p2 $0x1082  }
0x22: {  	[simem:s7], [sflag:s8] =	dma.local @!p0 [hbm:s6], $0xF7A  }
0x23: {  	s9 =	sor.u32 $0xD0000000, s2;
	s6 =	simm.s32 $0x108;
	_ =	swait.ge @!p0 [sflag:s8], $0x0  }
0x24: {  	s3 =	sadd.s32 $0x88, s3;
	s6 =	simm.s32 @!p1 $0x1082;
	[sflag:s4] =	ssyncset.s32 $0xFFFFF086  }
0x25: {  	[simem:s6], [sflag:s4] =	dma.local [hbm:s3], $0xF7A  }
0x26: {  	[smem:$0x3F9D] =	sst s1;
	(tag) =	ssettag s2;
	_ =	strace s9  }
0x27: {  	s1 =	sld [smem:$0x3FAD]  }
0x28: {  	s2 =	sld [smem:$0x3FAE]  }
0x29: {  	s4 =	sld [smem:$0x3FB0]  }
0x2a: {  	p0 =	seq.s32 s5, $0x0;
	s5 =	sld [smem:$0x3FB1]  }
0x2b: {  	s6 =	sld [smem:$0x3FB2]  }
0x2c: {  	s7 =	sld [smem:$0x3FB3]  }
0x2d: {  	s3 =	simm.s32 $0x108;
	s8 =	sld [smem:$0x3FB4]  }
0x2e: {  	s3 =	simm.s32 @!p0 $0x1082;
	s9 =	sld [smem:$0x3FB5]  }
0x2f: {  	lr =	sadd.s32 s0, s3;
	s0 =	sld [smem:$0x3FAC]  }
0x30: {  	s3 =	sld [smem:$0x3FAF]  }
0x31: {  	[smem:$0x3FB8] =	sst s10  }
0x32: {  	s10 =	sld [smem:$0x3FB6];
	_ =	sdelay $0x3  }
0x33: {  	p0 =	seq.s32 s10, $0x1;
	s10 =	sld [smem:$0x3FB8];
	_ =	sdelay $0x3  }
0x34: {  	[smem:$0x3FB8] =	sst s10  }
0x35: {  	s10 =	sld [smem:$0x3FB7];
	_ =	sdelay $0x3  }
0x36: {  	p1 =	seq.s32 s10, $0x1;
	s10 =	sld [smem:$0x3FB8];
	_ =	sdelay $0x3  }
0x37: {  	[smem:$0x3FB8] =	sst s10  }
0x38: {  	s10 =	sld [smem:$0x3FB9]  }
0x39: {  	_ = 	snop;
	(pc) =	sbr.ind lr, $3  }
0x3a: {  	_ = 	snop  }
0x3b: {  	_ = 	snop  }
0x3c: {  	p2 =	seq.s32 s10, $0x1;
	s10 =	sld [smem:$0x3FB8]  }
0x3d: {  	_ =	shalt  }
0x3e: {  	_ =	shalt  }
0x3f: {  	_ =	shalt  }
0x40: {  	_ =	shalt  }
0x41: {  	_ =	shalt  }
0x42: {  	_ =	shalt  }
0x43: {  	_ =	shalt  }
0x44: {  	_ =	shalt  }
0x45: {  	_ =	shalt  }
0x46: {  	_ =	shalt  }
0x47: {  	_ =	shalt  }
0x48: {  	_ =	shalt  }
0x49: {  	_ =	shalt  }
0x4a: {  	_ =	shalt  }
0x4b: {  	_ =	shalt  }
0x4c: {  	_ =	shalt  }
0x4d: {  	_ =	shalt  }
0x4e: {  	_ =	shalt  }
0x4f: {  	_ =	shalt  }
0x50: {  	_ =	shalt  }
0x51: {  	_ =	shalt  }
0x52: {  	_ =	shalt  }
0x53: {  	_ =	shalt  }
0x54: {  	_ =	shalt  }
0x55: {  	_ =	shalt  }
0x56: {  	_ =	shalt  }
0x57: {  	_ =	shalt  }
0x58: {  	_ =	shalt  }
0x59: {  	_ =	shalt  }
0x5a: {  	_ =	shalt  }
0x5b: {  	_ =	shalt  }
0x5c: {  	_ =	shalt  }
0x5d: {  	_ =	shalt  }
0x5e: {  	_ =	shalt  }
0x5f: {  	_ =	shalt  }
0x60: {  	_ =	shalt  }
0x61: {  	_ =	shalt  }
0x62: {  	_ =	shalt  }
0x63: {  	_ =	shalt  }
0x64: {  	_ =	shalt  }
0x65: {  	_ =	shalt  }
0x66: {  	_ =	shalt  }
0x67: {  	_ =	shalt  }
0x68: {  	_ =	shalt  }
0x69: {  	_ =	shalt  }
0x6a: {  	_ =	shalt  }
0x6b: {  	_ =	shalt  }
0x6c: {  	_ =	shalt  }
0x6d: {  	_ =	shalt  }
0x6e: {  	_ =	shalt  }
0x6f: {  	_ =	shalt  }
0x70: {  	_ =	shalt  }
0x71: {  	_ =	shalt  }
0x72: {  	_ =	shalt  }
0x73: {  	_ =	shalt  }
0x74: {  	_ =	shalt  }
0x75: {  	_ =	shalt  }
0x76: {  	_ =	shalt  }
0x77: {  	_ =	shalt  }
0x78: {  	_ =	shalt  }
0x79: {  	_ =	shalt  }
0x7a: {  	_ =	shalt  }
0x7b: {  	_ =	shalt  }
0x7c: {  	_ =	shalt  }
0x7d: {  	_ =	shalt  }
0x7e: {  	_ =	shalt  }
0x7f: {  	_ =	shalt  }
0x80: {  	_ =	shalt  }
0x81: {  	_ =	shalt  }
0x82: {  	_ =	shalt  }
0x83: {  	_ =	shalt  }
0x84: {  	_ =	shalt  }
0x85: {  	_ =	shalt  }
0x86: {  	_ =	shalt  }
0x87: {  	_ =	shalt  }
.Lfunc_end0:
.L_simem_size_0:
called_computation_lowered:
.L_overlay_start_0:
0x88: {  	s2 =	sld [smem:$0x3FD9]  }
0x89: {  	s3 =	sld [smem:$0x3FFE];
	_ =	sdelay $0x1  }
0x8a: {  	s1 =	srdreg.scid  }
0x8b: {  	s0 =	sand.u32 $0x1, s1  }
0x8c: {  	s17 =	sshll.u32 s0, $0xA;
	s2 =	sadd.s32 s3, s2  }
0x8d: {  	s2 =	sadd.s32 s2, s17  }
0x8e: {  	[smem:$0x3FC4] =	sst s2  }
0x8f: {  	_ = 	snop  }
0x90: {  	s2 =	sld [smem:$0x3FC8]  }
0x91: {  	s18 =	sld [smem:$0x3FC6];
	(tm) =	ssettm $0x1  }
0x92: {  	s4 =	sld [smem:$0x3FFB];
	_ =	sdelay $0x3  }
0x93: {  	_ =	strace s4  }
0x94: {  	s4 =	sld [smem:$0x3FFC];
	_ =	sdelay $0x3  }
0x95: {  	_ =	strace s4  }
0x96: {  	s4 =	sld [smem:$0x3FFD];
	_ =	sdelay $0x3  }
0x97: {  	_ =	strace s4  }
0x98: {  	_ =	strace $0x8FFFFFFF  }
0x99: {  	s19 =	sld [smem:$0x3FDB];
	_ =	sdelay $0x1  }
0x9a: {  	s5 =	simm.s32 $_scs_section_size  }
0x9b: {  	s6 =	simm.s32 $_size__tile_overlayer_lowered;
	s7 =	simm.s32 $_tile_overlayer_lowered  }
0x9c: {  	s22 =	simm.s32 $0x1BFF;
	s21 =	sshll.u32 s7, $0x1;
	s4 =	sadd.s32 s5, s19  }
0x9d: {  	s8 =	simm.s32 $0x0;
	s20 =	sshll.u32 s6, $0x1;
	s6 =	sadd.s32 s21, s4  }
0x9e: {  	[timem:s8], [sflag:s22] =	dma.local [hbm:s6], s20  }
0x9f: {  	_ =	swait.ge [sflag:s22], s20  }
0xa0: {  	s5 =	ssub.s32 $0x0, s20;
	[sflag:s22] =	ssyncset.done $0x0  }
0xa1: {  	[sflag:s22] =	ssyncadd.s32 s5;
	_ =	sdelay $0x1  }
0xa2: {  	s23 =	simm.s32 $0x1B8B  }
0xa3: {  	_ =	swait.ge [sflag:s23], $0x1  }
0xa4: {  	[sflag:s23] =	ssyncset.done $0x0  }
0xa5: {  	s25 =	simm.s32 $0x1B8E;
	s24 =	sld [smem:$0x3FFE];
	[sflag:s23] =	ssyncadd.s32 $0xFFFFFFFF  }
0xa6: {  	s26 =	simm.s32 $execute0_lowered;
	[smem:$0x3FD2] =	sst s25  }
0xa7: {  	s6 =	sshll.u32 s26, $0x1;
	_ =	strace $0x80000046;
	[dreg:$0x1] =	wrdreg $0xFFFFFFFF  }
0xa8: {  	s28 =	simm.s32 $_size_execute0_lowered;
	s4 =	sadd.s32 s4, s6;
	[dreg:$0x0] =	wrdreg $0x0  }
0xa9: {  	s6 =	sshll.u32 s28, $0x1;
	[dreg:$0x2] =	wrdreg s4  }
0xaa: {  	[dreg:$0x3] =	wrdreg s6  }
0xab: {  	[dreg:$0x4] =	wrdreg $0xC0  }
0xac: {  	_ =	task [dreg:s8], $0x5FFFF  }
0xad: {  	[dreg:$0x1] =	wrdreg $0xFFFFFFFF  }
0xae: {  	[dreg:$0x0] =	wrdreg $0x60  }
0xaf: {  	[dreg:$0x2] =	wrdreg s18  }
0xb0: {  	[dreg:$0x3] =	wrdreg s2  }
0xb1: {  	[dreg:$0x4] =	wrdreg s24  }
0xb2: {  	[dreg:$0x5] =	wrdreg $0x9  }
0xb3: {  	_ =	task.clear_ibuf [dreg:s8], $0x6FFFF;
	_ =	strace $0x90000046  }
0xb4: {  	s29 =	simm.s32 $0x9;
	_ =	strace $0x80000048  }
0xb5: {  	_ =	swait.ge [sflag:s29], $0x1  }
0xb6: {  	[sflag:s29] =	ssyncadd.s32 $0xFFFFFFFF  }
0xb7: {  	_ =	strace $0x90000048  }
0xb8: {  	_ =	sfence  }
0xb9: {  	s30 =	sld [smem:$0x0];
	_ =	sdelay $0x2  }
0xba: {  	s31 =	sshll.u32 s1, $0xD;
	s1 =	sshrl.u32 s1, $0x2  }
0xbb: {  	s3 =	sand.u32 $0x4000, s31;
	s1 =	sadd.s32 s1, s30  }
0xbc: {  	s0 =	sor.u32 s3, s0;
	s1 =	sshll.u32 s1, $0x11  }
0xbd: {  	s0 =	sor.u32 s1, s0  }
0xbe: {  	s0 =	sadd.s32 $0x8F2B, s0  }
0xbf: {  	[sflag:s0] =	ssyncadd.remote.s32 $0x1  }
0xc0: {  	_ =	sfence.sel $0xFFFF  }
0xc1: {  	[dreg:$0x0] =	wrdreg $0xFFFFFFFF;
	(pc) =	sbr.abs _section_cstart, $3  }
0xc2: {  	[dreg:$0x1] =	wrdreg $0xFFFFFFFF  }
0xc3: {  	_ =	task.clear_ibuf [dreg:s8], $0x2FFFF;
	_ =	strace $0x9FFFFFFF  }
0xc4: {  	(tm) =	ssettm $0x7FFFFFFF  }
0xc5: {  	_ =	shalt  }
tec
execute0_lowered:
.L_overlay_start_1:
0x0: {  	(tag) =	ssettag $0x1  }
0x1: {  	s1 =	rddreg [dreg:$0x0];
	s2 =	srdreg.scid  }
0x2: {  	s4 =	rddreg [dreg:$0x1];
	s0 =	stileid.u32  }
0x3: {  	s9 =	rddreg [dreg:$0x2];
	s3 =	simm.s32 $0x0;
	s6 =	sand.u32 $0x1, s2  }
0x4: {  	s5 =	sshll.u32 s0, $0x6;
	s2 =	rddreg [dreg:$0x3];
	s7 =	sshll.u32 s6, $0x5  }
0x5: {  	s8 =	simm.s32 $0x1;
	[smem:$0x7FF] =	sst s3;
	s10 =	sor.u32 s7, s5  }
0x6: {  	_ =	strace $0x80000047;
	s11 =	ssub.s32 $0x2, s6;
	s5 =	sshrl.u32 s10, $0x3  }
0x7: {  	s6 =	simm.s32 $0x20;
	s5 =	sadd.s32 s4, s5;
	s4 =	simm.s32 $0x2  }
0x8: {  	[tilespmem:s3], [sflag:$0x2] =	stream.linear.gather [hbm4b:s5+s3], $0x20, $0x38;
	[tilespmem:$0x1080] =	vst v63  }
0x9: {  	s7 =	simm.s32 $0x80;
	s12 =	sshrl.u32 s11, $0x1;
	_ =	swait.ge [sflag:s4], $0x20  }
0xa: {  	s10 =	sshll.u32 s10, $0x4;
	s31 =	ssub.s32 s11, s12;
	[sflag:s4] =	ssyncset.done $0x0  }
0xb: {  	s9 =	sadd.s32 s10, s9;
	s10 =	smax.u32 s31, $0x1;
	[sflag:s4] =	ssyncadd.s32 $0xFFFFFFE0  }
0xc: {  	[tilespmem:s7], [sflag:$0x1] =	stream.indirect.gather [hbm4b:s1+s6], $0x80, s3, s6, $0xb8;
	[tilespmem:$0x1080] =	vst v63  }
0xd: {  	p0 =	sne.s32 s10, $0x1;
	_ =	swait.ge [sflag:s8], $0x1000  }
.Ltmp0:
0xe: {  	[sflag:s8] =	ssyncset.done $0x0;
	(pc) =	sbr.rel @!p0 .LBB2_2-.Ltmp0, $4  }
0xf: {  	s9 =	sadd.s32 $0xC00, s9;
	[sflag:s8] =	ssyncadd.s32 $0xFFFFF000  }
0x10: {  	[hbm4b:s9+s3] =	stream.linear.scatter [tilespmem:s7], [sflag:$0x2], $0x1000, $0x38;
	[tilespmem:$0x1080] =	vst v63  }
0x11: {  	_ =	swait.ge [sflag:s4], $0x1000  }
0x12: {  	s10 =	sadd.s32 $0xFFFFFFFF, s10;
	[sflag:s4] =	ssyncset.done $0x0  }
.LBB2_1:
0x13: {  	p0 =	sne.s32 s10, $0x1;
	s10 =	sadd.s32 $0xFFFFFFFF, s10;
	[sflag:s4] =	ssyncadd.s32 $0xFFFFF000  }
0x14: {  	[tilespmem:s3], [sflag:$0x2] =	stream.linear.gather [hbm4b:s5+s3], $0x20, $0x38;
	[tilespmem:$0x1080] =	vst v63  }
0x15: {  	_ =	swait.ge [sflag:s4], $0x20  }
0x16: {  	[sflag:s4] =	ssyncset.done $0x0  }
0x17: {  	[sflag:s4] =	ssyncadd.s32 $0xFFFFFFE0  }
0x18: {  	[tilespmem:s7], [sflag:$0x1] =	stream.indirect.gather [hbm4b:s1+s6], $0x80, s3, s6, $0xb8;
	[tilespmem:$0x1080] =	vst v63  }
0x19: {  	_ =	swait.ge [sflag:s8], $0x1000  }
.Ltmp1:
0x1a: {  	[sflag:s8] =	ssyncset.done $0x0;
	(pc) =	sbr.rel @p0 .LBB2_1-.Ltmp1, $4  }
0x1b: {  	[sflag:s8] =	ssyncadd.s32 $0xFFFFF000  }
0x1c: {  	[hbm4b:s9+s3] =	stream.linear.scatter [tilespmem:s7], [sflag:$0x2], $0x1000, $0x38;
	[tilespmem:$0x1080] =	vst v63  }
0x1d: {  	_ =	swait.ge [sflag:s4], $0x1000  }
0x1e: {  	[sflag:s4] =	ssyncset.done $0x0  }
.LBB2_2:
0x1f: {  	[sflag:s4] =	ssyncadd.s32 $0xFFFFF000  }
0x20: {  	_ =	sfence.sel $0x180000  }
0x21: {  	[bflag:$0x0] =	sbarrier.arrive $0xFFFF  }
0x22: {  	p0 =	sne.s32 s0, $0x0;
	_ =	strace $0x90000047  }
0x23: {  	s0 =	sadd.s32 @!p0 $0x100000, s2;
	[bflag:$0x2] =	sbarrier.arrive $0xFFFF  }
0x24: {  	[sflag:s0] =	ssyncadd.tile.s32 @!p0 $0x1;
	_ =	shalt  }
.Lfunc_end2:
_tile_overlayer_lowered:
.L_overlay_start_2:
0x25: {  	(tag) =	ssettag $0x2  }
0x26: {  	s0 =	rddreg [dreg:$0x0];
	s2 =	stileid.u32  }
0x27: {  	s1 =	rddreg [dreg:$0x1];
	p0 =	sne.s32 s2, $0x0  }
0x28: {  	s3 =	rddreg [dreg:$0x2];
	[bflag:$0x3] =	sbarrier.arrive $0xFFFF;
	s2 =	simm.s32 @!p0 $0x1C02  }
0x29: {  	[timem:s3], [sflag:s2] =	dma.local @!p0 [hbm:s0], s1  }
0x2a: {  	s0 =	simm.s32 @!p0 $0x2  }
0x2b: {  	_ =	swait.ge @!p0 [sflag:s0], s1  }
0x2c: {  	s1 =	ssub.s32 @!p0 $0x0, s1;
	[sflag:s0] =	ssyncset.done @!p0 $0x0  }
0x2d: {  	[sflag:s0] =	ssyncadd.s32 @!p0 s1  }
0x2e: {  	[bflag:$0x3] =	sbarrier.arrive $0xFFFF  }
0x2f: {  	_ =	shalt  }

</sc_bundles>
